<compile_context>
chip_gen: v7x
topology: tpu7x:2x2x1
jax: 0.10.2.dev20260603
libtpu: 0.0.44.dev20260713+nightly
codegen_flags: <defaults>
</compile_context>

<pallas_src>
import functools

import jax
import jax.numpy as jnp
from jax import lax
from jax.experimental import pallas as pl
from jax.experimental.pallas import tpu as pltpu
from jax.experimental.pallas import tpu_sc as plsc

VOCAB = 100000
FUSION_VOCAB = 256
DIM = 128
B = 1024
S = 200
N = B * S

NC = 2
NS = 16
NW = NC * NS
CHUNK = 256
N_PER_W = N // NW
N_CHUNKS = N_PER_W // CHUNK


def _sc_body(tok_hbm, emb_hbm, fus_hbm, out_hbm, tok_v, midx_v, stage_v,
             fus_v, sem):
    wid = lax.axis_index("s") * NC + lax.axis_index("c")
    base = wid * N_PER_W

    pltpu.sync_copy(fus_hbm, fus_v)

    def chunk_body(k, carry):
        off = base + k * CHUNK
        pltpu.sync_copy(tok_hbm.at[pl.ds(off, CHUNK)], tok_v)

        for g in range(CHUNK // 16):
            t = tok_v[pl.ds(g * 16, 16)]
            midx_v[g // 8, pl.ds((g % 8) * 16, 16)] = jnp.where(t < VOCAB, t, 0)

        cp0 = pltpu.async_copy(emb_hbm.at[midx_v.at[0]],
                               stage_v.at[pl.ds(0, 128)], sem)
        cp1 = pltpu.async_copy(emb_hbm.at[midx_v.at[1]],
                               stage_v.at[pl.ds(128, 128)], sem)
        cp0.wait()
        cp1.wait()

        def fix_group(g, c2):
            t = tok_v[pl.ds(g * 16, 16)]
            fmask = t >= VOCAB
            anyf = plsc.all_reduce_population_count(fmask)[0]

            @pl.when(anyf > 0)
            def _():
                fidx = jnp.where(fmask, t - VOCAB, 0)
                rows = g * 16 + lax.iota(jnp.int32, 16)

                def fix_col(c, c3):
                    cols = jnp.full((16,), c, jnp.int32)
                    vals = plsc.load_gather(fus_v, [fidx, cols])
                    plsc.store_scatter(stage_v, [rows, cols], vals,
                                       mask=fmask)
                    return c3

                lax.fori_loop(0, DIM, fix_col, 0)
            return c2

        lax.fori_loop(0, CHUNK // 16, fix_group, 0)

        pltpu.sync_copy(stage_v, out_hbm.at[pl.ds(off, CHUNK)])
        return carry

    lax.fori_loop(0, N_CHUNKS, chunk_body, 0)


@functools.partial(
    pl.kernel,
    mesh=plsc.VectorSubcoreMesh(core_axis_name="c", subcore_axis_name="s"),
    out_type=jax.ShapeDtypeStruct((N, DIM), jnp.float32),
    compiler_params=pltpu.CompilerParams(needs_layout_passes=False),
    scratch_types=[
        pltpu.VMEM((CHUNK,), jnp.int32),
        pltpu.VMEM((2, 128), jnp.int32),
        pltpu.VMEM((CHUNK, DIM), jnp.float32),
        pltpu.VMEM((FUSION_VOCAB, DIM), jnp.float32),
        pltpu.SemaphoreType.DMA,
    ],
)
def _sc_embed(tok_hbm, emb_hbm, fus_hbm, out_hbm, tok_v, midx_v, stage_v,
              fus_v, sem):
    _sc_body(tok_hbm, emb_hbm, fus_hbm, out_hbm, tok_v, midx_v, stage_v,
             fus_v, sem)


def kernel(input, embedding, fusion_embedding):
    flat = input.reshape(N)
    out = _sc_embed(flat, embedding, fusion_embedding)
    return out.reshape(B, S, DIM)

# --- scband reference (transcript-rebuilt; emitter-appended) ---
"""Pipeline reference for scband-fusion-embedding-40475771798043 (READ-ONLY COPY).

The authoritative reference and input builder live on the scoring server;
editing this copy changes nothing except your own understanding.
"""

import jax, jax.numpy as jnp
import numpy as np

VOCAB = 100000
FUSION_VOCAB = 256
DIM = 128
B = 1024
S = 200


def setup_inputs(seed: int = 0) -> dict:
    key = jax.random.key(seed)
    k1, k2, k3 = jax.random.split(key, 3)
    inp = jax.random.randint(k1, (B, S), 0, VOCAB + FUSION_VOCAB, dtype=jnp.int32)
    embedding = jax.random.normal(k2, (VOCAB, DIM), dtype=jnp.float32)
    fusion_embedding = jax.random.normal(k3, (FUSION_VOCAB, DIM), dtype=jnp.float32)
    return {"input": inp, "embedding": embedding, "fusion_embedding": fusion_embedding}


def reference(input, embedding, fusion_embedding):
    # Route each token to the frozen main table or the learned fusion table.
    vocab_size = embedding.shape[0]
    mask = input < vocab_size  # [B, S] True -> main embedding
    # Safe (in-range) indices for each table; out-of-table slots point at row 0
    # and are discarded by the final where (equivalent to masked_select +
    # masked_scatter_ in the torch module).
    safe_tokens = jnp.where(mask, input, 0)
    safe_fusion = jnp.where(mask, 0, input - vocab_size)
    embeds = jnp.take(embedding, safe_tokens, axis=0)            # [B, S, D]
    fusion_embeds = jnp.take(fusion_embedding, safe_fusion, axis=0)  # [B, S, D]
    out = jnp.where(mask[..., None], embeds, fusion_embeds)
    return out

if __name__ == "__main__":
    import jax
    _d = setup_inputs()
    print(jax.jit(kernel)(*tuple(_d.values())))

</pallas_src>

<mosaic_0001>
#map = affine_map<(d0, d1) -> (0)>
#map1 = affine_map<(d0, d1) -> (0, 0)>
module attributes {stable_mosaic.version = 14 : i64} {
  func.func @_sc_embed(%arg0: i32, %arg1: i32, %arg2: memref<204800xi32, #tpu.memory_space<hbm>>, %arg3: memref<100000x128xf32, #tpu.memory_space<hbm>>, %arg4: memref<256x128xf32, #tpu.memory_space<hbm>>, %arg5: memref<204800x128xf32, #tpu.memory_space<hbm>>, %arg6: memref<256xi32, #tpu.memory_space<vmem>>, %arg7: memref<2x128xi32, #tpu.memory_space<vmem>>, %arg8: memref<256x128xf32, #tpu.memory_space<vmem>>, %arg9: memref<256x128xf32, #tpu.memory_space<vmem>>, %arg10: memref<!tpu.dma_semaphore, #tpu.memory_space<semaphore_mem>>) attributes {dimension_semantics = [#tpu.dimension_semantics<core_parallel>, #tpu.dimension_semantics<subcore_parallel>], iteration_bounds = array<i64: 2, 16>, scalar_prefetch = 0 : i64, scratch_operands = 5 : i64, tpu.core_type = #tpu.core_type<sc_vector_subcore>, window_params = [{transform_indices = #map}, {transform_indices = #map1}, {transform_indices = #map1}, {transform_indices = #map1}]} {
    %mul3A = arith.constant 2 : i32
    %mul3A_0 = arith.muli %arg1, %mul3A : i32
    %add3A = arith.addi %mul3A_0, %arg0 : i32
    %mul3A_1 = arith.constant 6400 : i32
    %mul3A_2 = arith.muli %add3A, %mul3A_1 : i32
    "tpu.region"() ({
      %run_scoped3A = tpu.sem_alloc : memref<!tpu.dma_semaphore, #tpu.memory_space<semaphore_mem>>
      tpu.enqueue_dma source(%arg4 : memref<256x128xf32, #tpu.memory_space<hbm>>) target(%arg9 : memref<256x128xf32, #tpu.memory_space<vmem>>) target_semaphore(%run_scoped3A : memref<!tpu.dma_semaphore, #tpu.memory_space<semaphore_mem>>)
      tpu.wait_dma2 semaphore(%run_scoped3A : memref<!tpu.dma_semaphore, #tpu.memory_space<semaphore_mem>>) src(%arg4 : memref<256x128xf32, #tpu.memory_space<hbm>>) dst(%arg9 : memref<256x128xf32, #tpu.memory_space<vmem>>)
      tpu.yield
    }) : () -> ()
    %scan3A = arith.constant 0 : i32
    %scan3A_3 = arith.constant 0 : i32
    %scan3A_4 = arith.constant 25 : i32
    %scan3A_5 = arith.addi %scan3A_3, %scan3A_4 : i32
    %scan3A_6 = arith.constant 1 : i32
    scf.for %scan3A_8 = %scan3A_3 to %scan3A_5 step %scan3A_6  : i32 {
      %mul3A_9 = arith.constant 256 : i32
      %mul3A_10 = arith.muli %scan3A_8, %mul3A_9 : i32
      %add3A_11 = arith.addi %mul3A_2, %mul3A_10 : i32
      "tpu.region"() ({
        %run_scoped3A = tpu.sem_alloc : memref<!tpu.dma_semaphore, #tpu.memory_space<semaphore_mem>>
        %dma_start3A_242 = tpu.memref_slice %arg2[%add3A_11] : memref<204800xi32, #tpu.memory_space<hbm>> -> memref<256xi32, #tpu.memory_space<hbm>>
        %dma_start3A_243 = tpu.memref_slice %arg2[%add3A_11] : memref<204800xi32, #tpu.memory_space<hbm>> -> memref<256xi32, #tpu.memory_space<hbm>>
        tpu.enqueue_dma source(%dma_start3A_243 : memref<256xi32, #tpu.memory_space<hbm>>) target(%arg6 : memref<256xi32, #tpu.memory_space<vmem>>) target_semaphore(%run_scoped3A : memref<!tpu.dma_semaphore, #tpu.memory_space<semaphore_mem>>)
        %dma_wait3A_244 = tpu.memref_slice %arg2[%add3A_11] : memref<204800xi32, #tpu.memory_space<hbm>> -> memref<256xi32, #tpu.memory_space<hbm>>
        %dma_wait3A_245 = tpu.memref_slice %arg2[%add3A_11] : memref<204800xi32, #tpu.memory_space<hbm>> -> memref<256xi32, #tpu.memory_space<hbm>>
        tpu.wait_dma2 semaphore(%run_scoped3A : memref<!tpu.dma_semaphore, #tpu.memory_space<semaphore_mem>>) src(%dma_wait3A_245 : memref<256xi32, #tpu.memory_space<hbm>>) dst(%arg6 : memref<256xi32, #tpu.memory_space<vmem>>)
        tpu.yield
      }) : () -> ()
      %get3A = arith.constant 0 : index
      %get3A_12 = tpu.vector_load %arg6[%get3A] {strides = array<i32>} : memref<256xi32, #tpu.memory_space<vmem>>, vector<16xi32>,
      %lt3A = arith.constant 100000 : i32
      %lt3A_13 = vector.broadcast %lt3A : i32 to vector<16xi32>
      %lt3A_14 = arith.cmpi slt, %get3A_12, %lt3A_13 : vector<16xi32>
      %jit3A = arith.constant 0 : i32
      %broadcast_in_dim3A = vector.broadcast %jit3A : i32 to vector<16xi32>
      %select_n3A = arith.select %lt3A_14, %get3A_12, %broadcast_in_dim3A : vector<16xi1>, vector<16xi32>
      %swap3A = arith.constant 0 : i32
      %swap3A_15 = arith.index_cast %swap3A : i32 to index
      %swap3A_16 = arith.constant 0 : index
      %swap3A_17 = tpu.vector_load %arg7[%swap3A_15, %swap3A_16] {strides = array<i32>} : memref<2x128xi32, #tpu.memory_space<vmem>>, vector<16xi32>,
      tpu.vector_store %arg7[%swap3A_15, %swap3A_16], %select_n3A {strides = array<i32>} : memref<2x128xi32, #tpu.memory_space<vmem>>, vector<16xi32>,
      %get3A_18 = arith.constant 16 : index
      %get3A_19 = tpu.vector_load %arg6[%get3A_18] {strides = array<i32>} : memref<256xi32, #tpu.memory_space<vmem>>, vector<16xi32>,
      %lt3A_20 = arith.constant 100000 : i32
      %lt3A_21 = vector.broadcast %lt3A_20 : i32 to vector<16xi32>
      %lt3A_22 = arith.cmpi slt, %get3A_19, %lt3A_21 : vector<16xi32>
      %jit3A_23 = arith.constant 0 : i32
      %broadcast_in_dim3A_24 = vector.broadcast %jit3A_23 : i32 to vector<16xi32>
      %select_n3A_25 = arith.select %lt3A_22, %get3A_19, %broadcast_in_dim3A_24 : vector<16xi1>, vector<16xi32>
      %swap3A_26 = arith.constant 0 : i32
      %swap3A_27 = arith.index_cast %swap3A_26 : i32 to index
      %swap3A_28 = arith.constant 16 : index
      %swap3A_29 = tpu.vector_load %arg7[%swap3A_27, %swap3A_28] {strides = array<i32>} : memref<2x128xi32, #tpu.memory_space<vmem>>, vector<16xi32>,
      tpu.vector_store %arg7[%swap3A_27, %swap3A_28], %select_n3A_25 {strides = array<i32>} : memref<2x128xi32, #tpu.memory_space<vmem>>, vector<16xi32>,
      %get3A_30 = arith.constant 32 : index
      %get3A_31 = tpu.vector_load %arg6[%get3A_30] {strides = array<i32>} : memref<256xi32, #tpu.memory_space<vmem>>, vector<16xi32>,
      %lt3A_32 = arith.constant 100000 : i32
      %lt3A_33 = vector.broadcast %lt3A_32 : i32 to vector<16xi32>
      %lt3A_34 = arith.cmpi slt, %get3A_31, %lt3A_33 : vector<16xi32>
      %jit3A_35 = arith.constant 0 : i32
      %broadcast_in_dim3A_36 = vector.broadcast %jit3A_35 : i32 to vector<16xi32>
      %select_n3A_37 = arith.select %lt3A_34, %get3A_31, %broadcast_in_dim3A_36 : vector<16xi1>, vector<16xi32>
      %swap3A_38 = arith.constant 0 : i32
      %swap3A_39 = arith.index_cast %swap3A_38 : i32 to index
      %swap3A_40 = arith.constant 32 : index
      %swap3A_41 = tpu.vector_load %arg7[%swap3A_39, %swap3A_40] {strides = array<i32>} : memref<2x128xi32, #tpu.memory_space<vmem>>, vector<16xi32>,
      tpu.vector_store %arg7[%swap3A_39, %swap3A_40], %select_n3A_37 {strides = array<i32>} : memref<2x128xi32, #tpu.memory_space<vmem>>, vector<16xi32>,
      %get3A_42 = arith.constant 48 : index
      %get3A_43 = tpu.vector_load %arg6[%get3A_42] {strides = array<i32>} : memref<256xi32, #tpu.memory_space<vmem>>, vector<16xi32>,
      %lt3A_44 = arith.constant 100000 : i32
      %lt3A_45 = vector.broadcast %lt3A_44 : i32 to vector<16xi32>
      %lt3A_46 = arith.cmpi slt, %get3A_43, %lt3A_45 : vector<16xi32>
      %jit3A_47 = arith.constant 0 : i32
      %broadcast_in_dim3A_48 = vector.broadcast %jit3A_47 : i32 to vector<16xi32>
      %select_n3A_49 = arith.select %lt3A_46, %get3A_43, %broadcast_in_dim3A_48 : vector<16xi1>, vector<16xi32>
      %swap3A_50 = arith.constant 0 : i32
      %swap3A_51 = arith.index_cast %swap3A_50 : i32 to index
      %swap3A_52 = arith.constant 48 : index
      %swap3A_53 = tpu.vector_load %arg7[%swap3A_51, %swap3A_52] {strides = array<i32>} : memref<2x128xi32, #tpu.memory_space<vmem>>, vector<16xi32>,
      tpu.vector_store %arg7[%swap3A_51, %swap3A_52], %select_n3A_49 {strides = array<i32>} : memref<2x128xi32, #tpu.memory_space<vmem>>, vector<16xi32>,
      %get3A_54 = arith.constant 64 : index
      %get3A_55 = tpu.vector_load %arg6[%get3A_54] {strides = array<i32>} : memref<256xi32, #tpu.memory_space<vmem>>, vector<16xi32>,
      %lt3A_56 = arith.constant 100000 : i32
      %lt3A_57 = vector.broadcast %lt3A_56 : i32 to vector<16xi32>
      %lt3A_58 = arith.cmpi slt, %get3A_55, %lt3A_57 : vector<16xi32>
      %jit3A_59 = arith.constant 0 : i32
      %broadcast_in_dim3A_60 = vector.broadcast %jit3A_59 : i32 to vector<16xi32>
      %select_n3A_61 = arith.select %lt3A_58, %get3A_55, %broadcast_in_dim3A_60 : vector<16xi1>, vector<16xi32>
      %swap3A_62 = arith.constant 0 : i32
      %swap3A_63 = arith.index_cast %swap3A_62 : i32 to index
      %swap3A_64 = arith.constant 64 : index
      %swap3A_65 = tpu.vector_load %arg7[%swap3A_63, %swap3A_64] {strides = array<i32>} : memref<2x128xi32, #tpu.memory_space<vmem>>, vector<16xi32>,
      tpu.vector_store %arg7[%swap3A_63, %swap3A_64], %select_n3A_61 {strides = array<i32>} : memref<2x128xi32, #tpu.memory_space<vmem>>, vector<16xi32>,
      %get3A_66 = arith.constant 80 : index
      %get3A_67 = tpu.vector_load %arg6[%get3A_66] {strides = array<i32>} : memref<256xi32, #tpu.memory_space<vmem>>, vector<16xi32>,
      %lt3A_68 = arith.constant 100000 : i32
      %lt3A_69 = vector.broadcast %lt3A_68 : i32 to vector<16xi32>
      %lt3A_70 = arith.cmpi slt, %get3A_67, %lt3A_69 : vector<16xi32>
      %jit3A_71 = arith.constant 0 : i32
      %broadcast_in_dim3A_72 = vector.broadcast %jit3A_71 : i32 to vector<16xi32>
      %select_n3A_73 = arith.select %lt3A_70, %get3A_67, %broadcast_in_dim3A_72 : vector<16xi1>, vector<16xi32>
      %swap3A_74 = arith.constant 0 : i32
      %swap3A_75 = arith.index_cast %swap3A_74 : i32 to index
      %swap3A_76 = arith.constant 80 : index
      %swap3A_77 = tpu.vector_load %arg7[%swap3A_75, %swap3A_76] {strides = array<i32>} : memref<2x128xi32, #tpu.memory_space<vmem>>, vector<16xi32>,
      tpu.vector_store %arg7[%swap3A_75, %swap3A_76], %select_n3A_73 {strides = array<i32>} : memref<2x128xi32, #tpu.memory_space<vmem>>, vector<16xi32>,
      %get3A_78 = arith.constant 96 : index
      %get3A_79 = tpu.vector_load %arg6[%get3A_78] {strides = array<i32>} : memref<256xi32, #tpu.memory_space<vmem>>, vector<16xi32>,
      %lt3A_80 = arith.constant 100000 : i32
      %lt3A_81 = vector.broadcast %lt3A_80 : i32 to vector<16xi32>
      %lt3A_82 = arith.cmpi slt, %get3A_79, %lt3A_81 : vector<16xi32>
      %jit3A_83 = arith.constant 0 : i32
      %broadcast_in_dim3A_84 = vector.broadcast %jit3A_83 : i32 to vector<16xi32>
      %select_n3A_85 = arith.select %lt3A_82, %get3A_79, %broadcast_in_dim3A_84 : vector<16xi1>, vector<16xi32>
      %swap3A_86 = arith.constant 0 : i32
      %swap3A_87 = arith.index_cast %swap3A_86 : i32 to index
      %swap3A_88 = arith.constant 96 : index
      %swap3A_89 = tpu.vector_load %arg7[%swap3A_87, %swap3A_88] {strides = array<i32>} : memref<2x128xi32, #tpu.memory_space<vmem>>, vector<16xi32>,
      tpu.vector_store %arg7[%swap3A_87, %swap3A_88], %select_n3A_85 {strides = array<i32>} : memref<2x128xi32, #tpu.memory_space<vmem>>, vector<16xi32>,
      %get3A_90 = arith.constant 112 : index
      %get3A_91 = tpu.vector_load %arg6[%get3A_90] {strides = array<i32>} : memref<256xi32, #tpu.memory_space<vmem>>, vector<16xi32>,
      %lt3A_92 = arith.constant 100000 : i32
      %lt3A_93 = vector.broadcast %lt3A_92 : i32 to vector<16xi32>
      %lt3A_94 = arith.cmpi slt, %get3A_91, %lt3A_93 : vector<16xi32>
      %jit3A_95 = arith.constant 0 : i32
      %broadcast_in_dim3A_96 = vector.broadcast %jit3A_95 : i32 to vector<16xi32>
      %select_n3A_97 = arith.select %lt3A_94, %get3A_91, %broadcast_in_dim3A_96 : vector<16xi1>, vector<16xi32>
      %swap3A_98 = arith.constant 0 : i32
      %swap3A_99 = arith.index_cast %swap3A_98 : i32 to index
      %swap3A_100 = arith.constant 112 : index
      %swap3A_101 = tpu.vector_load %arg7[%swap3A_99, %swap3A_100] {strides = array<i32>} : memref<2x128xi32, #tpu.memory_space<vmem>>, vector<16xi32>,
      tpu.vector_store %arg7[%swap3A_99, %swap3A_100], %select_n3A_97 {strides = array<i32>} : memref<2x128xi32, #tpu.memory_space<vmem>>, vector<16xi32>,
      %get3A_102 = arith.constant 128 : index
      %get3A_103 = tpu.vector_load %arg6[%get3A_102] {strides = array<i32>} : memref<256xi32, #tpu.memory_space<vmem>>, vector<16xi32>,
      %lt3A_104 = arith.constant 100000 : i32
      %lt3A_105 = vector.broadcast %lt3A_104 : i32 to vector<16xi32>
      %lt3A_106 = arith.cmpi slt, %get3A_103, %lt3A_105 : vector<16xi32>
      %jit3A_107 = arith.constant 0 : i32
      %broadcast_in_dim3A_108 = vector.broadcast %jit3A_107 : i32 to vector<16xi32>
      %select_n3A_109 = arith.select %lt3A_106, %get3A_103, %broadcast_in_dim3A_108 : vector<16xi1>, vector<16xi32>
      %swap3A_110 = arith.constant 1 : i32
      %swap3A_111 = arith.index_cast %swap3A_110 : i32 to index
      %swap3A_112 = arith.constant 0 : index
      %swap3A_113 = tpu.vector_load %arg7[%swap3A_111, %swap3A_112] {strides = array<i32>} : memref<2x128xi32, #tpu.memory_space<vmem>>, vector<16xi32>,
      tpu.vector_store %arg7[%swap3A_111, %swap3A_112], %select_n3A_109 {strides = array<i32>} : memref<2x128xi32, #tpu.memory_space<vmem>>, vector<16xi32>,
      %get3A_114 = arith.constant 144 : index
      %get3A_115 = tpu.vector_load %arg6[%get3A_114] {strides = array<i32>} : memref<256xi32, #tpu.memory_space<vmem>>, vector<16xi32>,
      %lt3A_116 = arith.constant 100000 : i32
      %lt3A_117 = vector.broadcast %lt3A_116 : i32 to vector<16xi32>
      %lt3A_118 = arith.cmpi slt, %get3A_115, %lt3A_117 : vector<16xi32>
      %jit3A_119 = arith.constant 0 : i32
      %broadcast_in_dim3A_120 = vector.broadcast %jit3A_119 : i32 to vector<16xi32>
      %select_n3A_121 = arith.select %lt3A_118, %get3A_115, %broadcast_in_dim3A_120 : vector<16xi1>, vector<16xi32>
      %swap3A_122 = arith.constant 1 : i32
      %swap3A_123 = arith.index_cast %swap3A_122 : i32 to index
      %swap3A_124 = arith.constant 16 : index
      %swap3A_125 = tpu.vector_load %arg7[%swap3A_123, %swap3A_124] {strides = array<i32>} : memref<2x128xi32, #tpu.memory_space<vmem>>, vector<16xi32>,
      tpu.vector_store %arg7[%swap3A_123, %swap3A_124], %select_n3A_121 {strides = array<i32>} : memref<2x128xi32, #tpu.memory_space<vmem>>, vector<16xi32>,
      %get3A_126 = arith.constant 160 : index
      %get3A_127 = tpu.vector_load %arg6[%get3A_126] {strides = array<i32>} : memref<256xi32, #tpu.memory_space<vmem>>, vector<16xi32>,
      %lt3A_128 = arith.constant 100000 : i32
      %lt3A_129 = vector.broadcast %lt3A_128 : i32 to vector<16xi32>
      %lt3A_130 = arith.cmpi slt, %get3A_127, %lt3A_129 : vector<16xi32>
      %jit3A_131 = arith.constant 0 : i32
      %broadcast_in_dim3A_132 = vector.broadcast %jit3A_131 : i32 to vector<16xi32>
      %select_n3A_133 = arith.select %lt3A_130, %get3A_127, %broadcast_in_dim3A_132 : vector<16xi1>, vector<16xi32>
      %swap3A_134 = arith.constant 1 : i32
      %swap3A_135 = arith.index_cast %swap3A_134 : i32 to index
      %swap3A_136 = arith.constant 32 : index
      %swap3A_137 = tpu.vector_load %arg7[%swap3A_135, %swap3A_136] {strides = array<i32>} : memref<2x128xi32, #tpu.memory_space<vmem>>, vector<16xi32>,
      tpu.vector_store %arg7[%swap3A_135, %swap3A_136], %select_n3A_133 {strides = array<i32>} : memref<2x128xi32, #tpu.memory_space<vmem>>, vector<16xi32>,
      %get3A_138 = arith.constant 176 : index
      %get3A_139 = tpu.vector_load %arg6[%get3A_138] {strides = array<i32>} : memref<256xi32, #tpu.memory_space<vmem>>, vector<16xi32>,
      %lt3A_140 = arith.constant 100000 : i32
      %lt3A_141 = vector.broadcast %lt3A_140 : i32 to vector<16xi32>
      %lt3A_142 = arith.cmpi slt, %get3A_139, %lt3A_141 : vector<16xi32>
      %jit3A_143 = arith.constant 0 : i32
      %broadcast_in_dim3A_144 = vector.broadcast %jit3A_143 : i32 to vector<16xi32>
      %select_n3A_145 = arith.select %lt3A_142, %get3A_139, %broadcast_in_dim3A_144 : vector<16xi1>, vector<16xi32>
      %swap3A_146 = arith.constant 1 : i32
      %swap3A_147 = arith.index_cast %swap3A_146 : i32 to index
      %swap3A_148 = arith.constant 48 : index
      %swap3A_149 = tpu.vector_load %arg7[%swap3A_147, %swap3A_148] {strides = array<i32>} : memref<2x128xi32, #tpu.memory_space<vmem>>, vector<16xi32>,
      tpu.vector_store %arg7[%swap3A_147, %swap3A_148], %select_n3A_145 {strides = array<i32>} : memref<2x128xi32, #tpu.memory_space<vmem>>, vector<16xi32>,
      %get3A_150 = arith.constant 192 : index
      %get3A_151 = tpu.vector_load %arg6[%get3A_150] {strides = array<i32>} : memref<256xi32, #tpu.memory_space<vmem>>, vector<16xi32>,
      %lt3A_152 = arith.constant 100000 : i32
      %lt3A_153 = vector.broadcast %lt3A_152 : i32 to vector<16xi32>
      %lt3A_154 = arith.cmpi slt, %get3A_151, %lt3A_153 : vector<16xi32>
      %jit3A_155 = arith.constant 0 : i32
      %broadcast_in_dim3A_156 = vector.broadcast %jit3A_155 : i32 to vector<16xi32>
      %select_n3A_157 = arith.select %lt3A_154, %get3A_151, %broadcast_in_dim3A_156 : vector<16xi1>, vector<16xi32>
      %swap3A_158 = arith.constant 1 : i32
      %swap3A_159 = arith.index_cast %swap3A_158 : i32 to index
      %swap3A_160 = arith.constant 64 : index
      %swap3A_161 = tpu.vector_load %arg7[%swap3A_159, %swap3A_160] {strides = array<i32>} : memref<2x128xi32, #tpu.memory_space<vmem>>, vector<16xi32>,
      tpu.vector_store %arg7[%swap3A_159, %swap3A_160], %select_n3A_157 {strides = array<i32>} : memref<2x128xi32, #tpu.memory_space<vmem>>, vector<16xi32>,
      %get3A_162 = arith.constant 208 : index
      %get3A_163 = tpu.vector_load %arg6[%get3A_162] {strides = array<i32>} : memref<256xi32, #tpu.memory_space<vmem>>, vector<16xi32>,
      %lt3A_164 = arith.constant 100000 : i32
      %lt3A_165 = vector.broadcast %lt3A_164 : i32 to vector<16xi32>
      %lt3A_166 = arith.cmpi slt, %get3A_163, %lt3A_165 : vector<16xi32>
      %jit3A_167 = arith.constant 0 : i32
      %broadcast_in_dim3A_168 = vector.broadcast %jit3A_167 : i32 to vector<16xi32>
      %select_n3A_169 = arith.select %lt3A_166, %get3A_163, %broadcast_in_dim3A_168 : vector<16xi1>, vector<16xi32>
      %swap3A_170 = arith.constant 1 : i32
      %swap3A_171 = arith.index_cast %swap3A_170 : i32 to index
      %swap3A_172 = arith.constant 80 : index
      %swap3A_173 = tpu.vector_load %arg7[%swap3A_171, %swap3A_172] {strides = array<i32>} : memref<2x128xi32, #tpu.memory_space<vmem>>, vector<16xi32>,
      tpu.vector_store %arg7[%swap3A_171, %swap3A_172], %select_n3A_169 {strides = array<i32>} : memref<2x128xi32, #tpu.memory_space<vmem>>, vector<16xi32>,
      %get3A_174 = arith.constant 224 : index
      %get3A_175 = tpu.vector_load %arg6[%get3A_174] {strides = array<i32>} : memref<256xi32, #tpu.memory_space<vmem>>, vector<16xi32>,
      %lt3A_176 = arith.constant 100000 : i32
      %lt3A_177 = vector.broadcast %lt3A_176 : i32 to vector<16xi32>
      %lt3A_178 = arith.cmpi slt, %get3A_175, %lt3A_177 : vector<16xi32>
      %jit3A_179 = arith.constant 0 : i32
      %broadcast_in_dim3A_180 = vector.broadcast %jit3A_179 : i32 to vector<16xi32>
      %select_n3A_181 = arith.select %lt3A_178, %get3A_175, %broadcast_in_dim3A_180 : vector<16xi1>, vector<16xi32>
      %swap3A_182 = arith.constant 1 : i32
      %swap3A_183 = arith.index_cast %swap3A_182 : i32 to index
      %swap3A_184 = arith.constant 96 : index
      %swap3A_185 = tpu.vector_load %arg7[%swap3A_183, %swap3A_184] {strides = array<i32>} : memref<2x128xi32, #tpu.memory_space<vmem>>, vector<16xi32>,
      tpu.vector_store %arg7[%swap3A_183, %swap3A_184], %select_n3A_181 {strides = array<i32>} : memref<2x128xi32, #tpu.memory_space<vmem>>, vector<16xi32>,
      %get3A_186 = arith.constant 240 : index
      %get3A_187 = tpu.vector_load %arg6[%get3A_186] {strides = array<i32>} : memref<256xi32, #tpu.memory_space<vmem>>, vector<16xi32>,
      %lt3A_188 = arith.constant 100000 : i32
      %lt3A_189 = vector.broadcast %lt3A_188 : i32 to vector<16xi32>
      %lt3A_190 = arith.cmpi slt, %get3A_187, %lt3A_189 : vector<16xi32>
      %jit3A_191 = arith.constant 0 : i32
      %broadcast_in_dim3A_192 = vector.broadcast %jit3A_191 : i32 to vector<16xi32>
      %select_n3A_193 = arith.select %lt3A_190, %get3A_187, %broadcast_in_dim3A_192 : vector<16xi1>, vector<16xi32>
      %swap3A_194 = arith.constant 1 : i32
      %swap3A_195 = arith.index_cast %swap3A_194 : i32 to index
      %swap3A_196 = arith.constant 112 : index
      %swap3A_197 = tpu.vector_load %arg7[%swap3A_195, %swap3A_196] {strides = array<i32>} : memref<2x128xi32, #tpu.memory_space<vmem>>, vector<16xi32>,
      tpu.vector_store %arg7[%swap3A_195, %swap3A_196], %select_n3A_193 {strides = array<i32>} : memref<2x128xi32, #tpu.memory_space<vmem>>, vector<16xi32>,
      %dma_start3A = arith.constant 0 : i32
      %dma_start3A_198 = arith.constant 0 : i32
      %dma_start3A_199 = arith.constant 0 : i32
      %dma_start3A_200 = tpu.memref_slice %arg8[%dma_start3A_198, %dma_start3A_199] : memref<256x128xf32, #tpu.memory_space<vmem>> -> memref<128x128xf32, #tpu.memory_space<vmem>>
      %dma_start3A_201 = arith.constant 0 : i32
      %dma_start3A_202 = tpu.memref_slice %arg7[%dma_start3A, %dma_start3A_201] : memref<2x128xi32, #tpu.memory_space<vmem>> -> memref<1x128xi32, #tpu.memory_space<vmem>>
      %dma_start3A_203 = tpu.memref_squeeze %dma_start3A_202 : memref<1x128xi32, #tpu.memory_space<vmem>> -> memref<128xi32, #tpu.memory_space<vmem>>
      %dma_start3A_204 = arith.constant 0 : i32
      %dma_start3A_205 = arith.constant 0 : i32
      %dma_start3A_206 = tpu.memref_slice %arg3[%dma_start3A_204, %dma_start3A_205] : memref<100000x128xf32, #tpu.memory_space<hbm>> -> memref<100000x128xf32, #tpu.memory_space<hbm>>
      tpu.enqueue_indirect_dma source(%dma_start3A_206 : memref<100000x128xf32, #tpu.memory_space<hbm>>) target(%dma_start3A_200 : memref<128x128xf32, #tpu.memory_space<vmem>>) offsets(%dma_start3A_203 : memref<128xi32, #tpu.memory_space<vmem>>) semaphore(%arg10 : memref<!tpu.dma_semaphore, #tpu.memory_space<semaphore_mem>>)
      %dma_start3A_207 = arith.constant 1 : i32
      %dma_start3A_208 = arith.constant 128 : i32
      %dma_start3A_209 = arith.constant 0 : i32
      %dma_start3A_210 = tpu.memref_slice %arg8[%dma_start3A_208, %dma_start3A_209] : memref<256x128xf32, #tpu.memory_space<vmem>> -> memref<128x128xf32, #tpu.memory_space<vmem>>
      %dma_start3A_211 = arith.constant 0 : i32
      %dma_start3A_212 = tpu.memref_slice %arg7[%dma_start3A_207, %dma_start3A_211] : memref<2x128xi32, #tpu.memory_space<vmem>> -> memref<1x128xi32, #tpu.memory_space<vmem>>
      %dma_start3A_213 = tpu.memref_squeeze %dma_start3A_212 : memref<1x128xi32, #tpu.memory_space<vmem>> -> memref<128xi32, #tpu.memory_space<vmem>>
      %dma_start3A_214 = arith.constant 0 : i32
      %dma_start3A_215 = arith.constant 0 : i32
      %dma_start3A_216 = tpu.memref_slice %arg3[%dma_start3A_214, %dma_start3A_215] : memref<100000x128xf32, #tpu.memory_space<hbm>> -> memref<100000x128xf32, #tpu.memory_space<hbm>>
      tpu.enqueue_indirect_dma source(%dma_start3A_216 : memref<100000x128xf32, #tpu.memory_space<hbm>>) target(%dma_start3A_210 : memref<128x128xf32, #tpu.memory_space<vmem>>) offsets(%dma_start3A_213 : memref<128xi32, #tpu.memory_space<vmem>>) semaphore(%arg10 : memref<!tpu.dma_semaphore, #tpu.memory_space<semaphore_mem>>)
      %dma_wait3A = arith.constant 0 : i32
      %dma_wait3A_217 = arith.constant 0 : i32
      %dma_wait3A_218 = arith.constant 0 : i32
      %dma_wait3A_219 = tpu.memref_slice %arg8[%dma_wait3A_217, %dma_wait3A_218] : memref<256x128xf32, #tpu.memory_space<vmem>> -> memref<128x128xf32, #tpu.memory_space<vmem>>
      %dma_wait3A_220 = arith.constant 0 : i32
      %dma_wait3A_221 = tpu.memref_slice %arg7[%dma_wait3A, %dma_wait3A_220] : memref<2x128xi32, #tpu.memory_space<vmem>> -> memref<1x128xi32, #tpu.memory_space<vmem>>
      %dma_wait3A_222 = tpu.memref_squeeze %dma_wait3A_221 : memref<1x128xi32, #tpu.memory_space<vmem>> -> memref<128xi32, #tpu.memory_space<vmem>>
      %dma_wait3A_223 = arith.constant 0 : i32
      %dma_wait3A_224 = arith.constant 0 : i32
      %dma_wait3A_225 = tpu.memref_slice %arg3[%dma_wait3A_223, %dma_wait3A_224] : memref<100000x128xf32, #tpu.memory_space<hbm>> -> memref<100000x128xf32, #tpu.memory_space<hbm>>
      tpu.wait_indirect_dma semaphore(%arg10 : memref<!tpu.dma_semaphore, #tpu.memory_space<semaphore_mem>>) src(%dma_wait3A_225 : memref<100000x128xf32, #tpu.memory_space<hbm>>) dst(%dma_wait3A_219 : memref<128x128xf32, #tpu.memory_space<vmem>>)
      %dma_wait3A_226 = arith.constant 1 : i32
      %dma_wait3A_227 = arith.constant 128 : i32
      %dma_wait3A_228 = arith.constant 0 : i32
      %dma_wait3A_229 = tpu.memref_slice %arg8[%dma_wait3A_227, %dma_wait3A_228] : memref<256x128xf32, #tpu.memory_space<vmem>> -> memref<128x128xf32, #tpu.memory_space<vmem>>
      %dma_wait3A_230 = arith.constant 0 : i32
      %dma_wait3A_231 = tpu.memref_slice %arg7[%dma_wait3A_226, %dma_wait3A_230] : memref<2x128xi32, #tpu.memory_space<vmem>> -> memref<1x128xi32, #tpu.memory_space<vmem>>
      %dma_wait3A_232 = tpu.memref_squeeze %dma_wait3A_231 : memref<1x128xi32, #tpu.memory_space<vmem>> -> memref<128xi32, #tpu.memory_space<vmem>>
      %dma_wait3A_233 = arith.constant 0 : i32
      %dma_wait3A_234 = arith.constant 0 : i32
      %dma_wait3A_235 = tpu.memref_slice %arg3[%dma_wait3A_233, %dma_wait3A_234] : memref<100000x128xf32, #tpu.memory_space<hbm>> -> memref<100000x128xf32, #tpu.memory_space<hbm>>
      tpu.wait_indirect_dma semaphore(%arg10 : memref<!tpu.dma_semaphore, #tpu.memory_space<semaphore_mem>>) src(%dma_wait3A_235 : memref<100000x128xf32, #tpu.memory_space<hbm>>) dst(%dma_wait3A_229 : memref<128x128xf32, #tpu.memory_space<vmem>>)
      %scan3A_236 = arith.constant 0 : i32
      %scan3A_237 = arith.constant 0 : i32
      %scan3A_238 = arith.constant 16 : i32
      %scan3A_239 = arith.addi %scan3A_237, %scan3A_238 : i32
      %scan3A_240 = arith.constant 1 : i32
      scf.for %scan3A_242 = %scan3A_237 to %scan3A_239 step %scan3A_240  : i32 {
        %mul3A_243 = arith.constant 16 : i32
        %mul3A_244 = arith.muli %scan3A_242, %mul3A_243 : i32
        %get3A_245 = arith.index_cast %mul3A_244 : i32 to index
        %get3A_246 = tpu.vector_load %arg6[%get3A_245] {strides = array<i32>} : memref<256xi32, #tpu.memory_space<vmem>>, vector<16xi32>,
        %ge3A = arith.constant 100000 : i32
        %ge3A_247 = vector.broadcast %ge3A : i32 to vector<16xi32>
        %ge3A_248 = arith.cmpi sge, %get3A_246, %ge3A_247 : vector<16xi32>
        %all_reduce_population_count3A = tpu.all_reduce %ge3A_248 {dim = 0 : i64, kind = #tpu.reduction_kind<sum>} : vector<16xi1> -> vector<16xi32>
        %slice3A = vector.extract_strided_slice %all_reduce_population_count3A {offsets = [0], sizes = [1], strides = [1]} : vector<16xi32> to vector<1xi32>
        %squeeze3A = vector.extract %slice3A[0] : i32 from vector<1xi32>
        %gt3A = arith.constant 0 : i32
        %gt3A_249 = arith.cmpi sgt, %squeeze3A, %gt3A : i32
        %convert_element_type3A = arith.extui %gt3A_249 : i1 to i32
        %cond3A = arith.constant 0 : i32
        %cond3A_250 = arith.cmpi ne, %convert_element_type3A, %cond3A : i32
        scf.if %cond3A_250 {
          %sub3A = arith.constant 100000 : i32
          %sub3A_251 = vector.broadcast %sub3A : i32 to vector<16xi32>
          %sub3A_252 = arith.subi %get3A_246, %sub3A_251 : vector<16xi32>
          %jit3A_253 = arith.constant 0 : i32
          %broadcast_in_dim3A_254 = vector.broadcast %jit3A_253 : i32 to vector<16xi32>
          %select_n3A_255 = arith.select %ge3A_248, %sub3A_252, %broadcast_in_dim3A_254 : vector<16xi1>, vector<16xi32>
          %mul3A_256 = arith.constant 16 : i32
          %mul3A_257 = arith.muli %scan3A_242, %mul3A_256 : i32
          %iota3A = tpu.iota {dimensions = array<i32: 0>} : vector<16xi32>
          %add3A_258 = vector.broadcast %mul3A_257 : i32 to vector<16xi32>
          %add3A_259 = arith.addi %add3A_258, %iota3A : vector<16xi32>
          %scan3A_260 = arith.constant 0 : i32
          %scan3A_261 = arith.constant 0 : i32
          %scan3A_262 = arith.constant 128 : i32
          %scan3A_263 = arith.addi %scan3A_261, %scan3A_262 : i32
          %scan3A_264 = arith.constant 1 : i32
          scf.for %scan3A_266 = %scan3A_261 to %scan3A_263 step %scan3A_264  : i32 {
            %broadcast_in_dim3A_267 = vector.broadcast %scan3A_266 : i32 to vector<16xi32>
            %gather3A = tpu.vector_load_idx %arg9[%select_n3A_255, %broadcast_in_dim3A_267] : memref<256x128xf32, #tpu.memory_space<vmem>>[vector<16xi32>, vector<16xi32>], vector<16xf32>,
            tpu.vector_store_idx %arg8[%add3A_259, %broadcast_in_dim3A_267], %gather3A masked %ge3A_248 : memref<256x128xf32, #tpu.memory_space<vmem>>[vector<16xi32>, vector<16xi32>], vector<16xf32>, vector<16xi1>
          }
          %scan3A_265 = arith.constant 128 : i32
        } else {
        }
      }
      %scan3A_241 = arith.constant 16 : i32
      "tpu.region"() ({
        %run_scoped3A = tpu.sem_alloc : memref<!tpu.dma_semaphore, #tpu.memory_space<semaphore_mem>>
        %dma_start3A_242 = arith.constant 0 : i32
        %dma_start3A_243 = tpu.memref_slice %arg5[%add3A_11, %dma_start3A_242] : memref<204800x128xf32, #tpu.memory_space<hbm>> -> memref<256x128xf32, #tpu.memory_space<hbm>>
        %dma_start3A_244 = arith.constant 0 : i32
        %dma_start3A_245 = tpu.memref_slice %arg5[%add3A_11, %dma_start3A_244] : memref<204800x128xf32, #tpu.memory_space<hbm>> -> memref<256x128xf32, #tpu.memory_space<hbm>>
        tpu.enqueue_dma source(%arg8 : memref<256x128xf32, #tpu.memory_space<vmem>>) target(%dma_start3A_245 : memref<256x128xf32, #tpu.memory_space<hbm>>) target_semaphore(%run_scoped3A : memref<!tpu.dma_semaphore, #tpu.memory_space<semaphore_mem>>)
        %dma_wait3A_246 = arith.constant 0 : i32
        %dma_wait3A_247 = tpu.memref_slice %arg5[%add3A_11, %dma_wait3A_246] : memref<204800x128xf32, #tpu.memory_space<hbm>> -> memref<256x128xf32, #tpu.memory_space<hbm>>
        %dma_wait3A_248 = arith.constant 0 : i32
        %dma_wait3A_249 = tpu.memref_slice %arg5[%add3A_11, %dma_wait3A_248] : memref<204800x128xf32, #tpu.memory_space<hbm>> -> memref<256x128xf32, #tpu.memory_space<hbm>>
        tpu.wait_dma2 semaphore(%run_scoped3A : memref<!tpu.dma_semaphore, #tpu.memory_space<semaphore_mem>>) src(%arg8 : memref<256x128xf32, #tpu.memory_space<vmem>>) dst(%dma_wait3A_249 : memref<256x128xf32, #tpu.memory_space<hbm>>)
        tpu.yield
      }) : () -> ()
    }
    %scan3A_7 = arith.constant 25 : i32
    return
  }
}

</mosaic_0001>

<sc_bundles>
// kernel: kernel.3.cloned.1.call-start
scs
__scs_entry_jumppad:
0x0: {  	(pc) =	sbr.rel $0x88, $3  }
0x1: {  	(tag) =	ssettag $0x0;
	lr =	simm.s32 $0x1  }
0x2: {  	[smem:$0x3F9E] =	sst lr;
	_ =	strace $0xD0000000  }
0x3: {  	_ = 	snop  }
0x4: {  	_ = 	snop  }
0x5: {  	_ = 	snop  }
0x6: {  	_ = 	snop  }
0x7: {  	_ = 	snop  }
__scs_overlays_trampoline_lowered:
0x8: {  	[smem:$0x3FAD] =	sst s0  }
0x9: {  	[smem:$0x3FAE] =	sst s1  }
0xa: {  	[smem:$0x3FAF] =	sst s2  }
0xb: {  	[smem:$0x3FB0] =	sst s3  }
0xc: {  	[smem:$0x3FB1] =	sst s4  }
0xd: {  	[smem:$0x3FB2] =	sst s5  }
0xe: {  	[smem:$0x3FB3] =	sst s6  }
0xf: {  	[smem:$0x3FB4] =	sst s7  }
0x10: {  	[smem:$0x3FB5] =	sst s8  }
0x11: {  	[smem:$0x3FB6] =	sst s9;
	s0 =	simm.s32 @!p0 $0x0  }
0x12: {  	s1 =	sld [smem:$0x3F9C];
	s0 =	simm.s32 @p0 $0x1  }
0x13: {  	[smem:$0x3FB7] =	sst s0;
	s0 =	simm.s32 @!p1 $0x0  }
0x14: {  	s2 =	sld [smem:$0x3F9B];
	s0 =	simm.s32 @p1 $0x1  }
0x15: {  	[smem:$0x3FB8] =	sst s0;
	s0 =	simm.s32 @!p2 $0x0  }
0x16: {  	s3 =	sld [smem:$0x3FDB];
	s0 =	simm.s32 @p2 $0x1  }
0x17: {  	s4 =	simm.s32 $0x1BF5;
	[smem:$0x3FBA] =	sst s0  }
0x18: {  	s0 =	sld [smem:$0x3F9D];
	_ =	swait.ge [sflag:s4], $0x0  }
0x19: {  	s7 =	sld [smem:$0x3F9E]  }
0x1a: {  	s8 =	sadd.s32 $0xFFFFE003, lr  }
0x1b: {  	s9 =	sadd.s32 $0xFFFFFEF7, lr;
	s5 =	simm.s32 $0xFFFFFFFF;
	p2 =	slt.u32 s8, $0xFFFFF086  }
0x1c: {  	p1 =	slt.u32 s9, $0xF7A;
	s5 =	simm.s32 @!p2 $0x0  }
0x1d: {  	s5 =	simm.s32 @p1 $0x1;
	p0 =	seq.s32 s7, s2  }
0x1e: {  	s7 =	smul.u32 @!p0 $0xF7A, s2;
	p2 =	seq.s32 @!p0 s5, $0x0  }
0x1f: {  	s9 =	smul.u32 $0xF7A, s1;
	s8 =	simm.s32 @!p0 $0x1BF5;
	p2 =	por !p2, p0  }
0x20: {  	[sflag:s8] =	ssyncset.s32 @!p0 $0xFFFFF086;
	s6 =	sadd.s32 @!p0 s3, s7;
	s7 =	simm.s32 @!p0 $0x108  }
0x21: {  	s3 =	sadd.s32 s3, s9;
	s6 =	sadd.s32 @!p0 $0x88, s6;
	s7 =	simm.s32 @p2 $0x1082  }
0x22: {  	[simem:s7], [sflag:s8] =	dma.local @!p0 [hbm:s6], $0xF7A  }
0x23: {  	s9 =	sor.u32 $0xD0000000, s2;
	s6 =	simm.s32 $0x108;
	_ =	swait.ge @!p0 [sflag:s8], $0x0  }
0x24: {  	s3 =	sadd.s32 $0x88, s3;
	s6 =	simm.s32 @!p1 $0x1082;
	[sflag:s4] =	ssyncset.s32 $0xFFFFF086  }
0x25: {  	[simem:s6], [sflag:s4] =	dma.local [hbm:s3], $0xF7A  }
0x26: {  	[smem:$0x3F9E] =	sst s1;
	(tag) =	ssettag s2;
	_ =	strace s9  }
0x27: {  	s1 =	sld [smem:$0x3FAE]  }
0x28: {  	s2 =	sld [smem:$0x3FAF]  }
0x29: {  	s4 =	sld [smem:$0x3FB1]  }
0x2a: {  	p0 =	seq.s32 s5, $0x0;
	s5 =	sld [smem:$0x3FB2]  }
0x2b: {  	s6 =	sld [smem:$0x3FB3]  }
0x2c: {  	s7 =	sld [smem:$0x3FB4]  }
0x2d: {  	s3 =	simm.s32 $0x108;
	s8 =	sld [smem:$0x3FB5]  }
0x2e: {  	s3 =	simm.s32 @!p0 $0x1082;
	s9 =	sld [smem:$0x3FB6]  }
0x2f: {  	lr =	sadd.s32 s0, s3;
	s0 =	sld [smem:$0x3FAD]  }
0x30: {  	s3 =	sld [smem:$0x3FB0]  }
0x31: {  	[smem:$0x3FB9] =	sst s10  }
0x32: {  	s10 =	sld [smem:$0x3FB7];
	_ =	sdelay $0x3  }
0x33: {  	p0 =	seq.s32 s10, $0x1;
	s10 =	sld [smem:$0x3FB9];
	_ =	sdelay $0x3  }
0x34: {  	[smem:$0x3FB9] =	sst s10  }
0x35: {  	s10 =	sld [smem:$0x3FB8];
	_ =	sdelay $0x3  }
0x36: {  	p1 =	seq.s32 s10, $0x1;
	s10 =	sld [smem:$0x3FB9];
	_ =	sdelay $0x3  }
0x37: {  	[smem:$0x3FB9] =	sst s10  }
0x38: {  	s10 =	sld [smem:$0x3FBA]  }
0x39: {  	_ = 	snop;
	(pc) =	sbr.ind lr, $3  }
0x3a: {  	_ = 	snop  }
0x3b: {  	_ = 	snop  }
0x3c: {  	p2 =	seq.s32 s10, $0x1;
	s10 =	sld [smem:$0x3FB9]  }
0x3d: {  	_ =	shalt  }
0x3e: {  	_ =	shalt  }
0x3f: {  	_ =	shalt  }
0x40: {  	_ =	shalt  }
0x41: {  	_ =	shalt  }
0x42: {  	_ =	shalt  }
0x43: {  	_ =	shalt  }
0x44: {  	_ =	shalt  }
0x45: {  	_ =	shalt  }
0x46: {  	_ =	shalt  }
0x47: {  	_ =	shalt  }
0x48: {  	_ =	shalt  }
0x49: {  	_ =	shalt  }
0x4a: {  	_ =	shalt  }
0x4b: {  	_ =	shalt  }
0x4c: {  	_ =	shalt  }
0x4d: {  	_ =	shalt  }
0x4e: {  	_ =	shalt  }
0x4f: {  	_ =	shalt  }
0x50: {  	_ =	shalt  }
0x51: {  	_ =	shalt  }
0x52: {  	_ =	shalt  }
0x53: {  	_ =	shalt  }
0x54: {  	_ =	shalt  }
0x55: {  	_ =	shalt  }
0x56: {  	_ =	shalt  }
0x57: {  	_ =	shalt  }
0x58: {  	_ =	shalt  }
0x59: {  	_ =	shalt  }
0x5a: {  	_ =	shalt  }
0x5b: {  	_ =	shalt  }
0x5c: {  	_ =	shalt  }
0x5d: {  	_ =	shalt  }
0x5e: {  	_ =	shalt  }
0x5f: {  	_ =	shalt  }
0x60: {  	_ =	shalt  }
0x61: {  	_ =	shalt  }
0x62: {  	_ =	shalt  }
0x63: {  	_ =	shalt  }
0x64: {  	_ =	shalt  }
0x65: {  	_ =	shalt  }
0x66: {  	_ =	shalt  }
0x67: {  	_ =	shalt  }
0x68: {  	_ =	shalt  }
0x69: {  	_ =	shalt  }
0x6a: {  	_ =	shalt  }
0x6b: {  	_ =	shalt  }
0x6c: {  	_ =	shalt  }
0x6d: {  	_ =	shalt  }
0x6e: {  	_ =	shalt  }
0x6f: {  	_ =	shalt  }
0x70: {  	_ =	shalt  }
0x71: {  	_ =	shalt  }
0x72: {  	_ =	shalt  }
0x73: {  	_ =	shalt  }
0x74: {  	_ =	shalt  }
0x75: {  	_ =	shalt  }
0x76: {  	_ =	shalt  }
0x77: {  	_ =	shalt  }
0x78: {  	_ =	shalt  }
0x79: {  	_ =	shalt  }
0x7a: {  	_ =	shalt  }
0x7b: {  	_ =	shalt  }
0x7c: {  	_ =	shalt  }
0x7d: {  	_ =	shalt  }
0x7e: {  	_ =	shalt  }
0x7f: {  	_ =	shalt  }
0x80: {  	_ =	shalt  }
0x81: {  	_ =	shalt  }
0x82: {  	_ =	shalt  }
0x83: {  	_ =	shalt  }
0x84: {  	_ =	shalt  }
0x85: {  	_ =	shalt  }
0x86: {  	_ =	shalt  }
0x87: {  	_ =	shalt  }
.Lfunc_end0:
.L_simem_size_0:
called_computation_lowered:
.L_overlay_start_0:
0x88: {  	s2 =	sld [smem:$0x3FD9]  }
0x89: {  	s3 =	sld [smem:$0x3FFE];
	_ =	sdelay $0x1  }
0x8a: {  	s1 =	srdreg.scid  }
0x8b: {  	s0 =	sand.u32 $0x1, s1  }
0x8c: {  	s17 =	sshll.u32 s0, $0xA;
	s2 =	sadd.s32 s3, s2  }
0x8d: {  	s2 =	sadd.s32 s2, s17  }
0x8e: {  	[smem:$0x3FC5] =	sst s2  }
0x8f: {  	_ = 	snop  }
0x90: {  	s2 =	sld [smem:$0x3FC8]  }
0x91: {  	s18 =	sld [smem:$0x3FC7]  }
0x92: {  	s4 =	sld [smem:$0x3FD0];
	(tm) =	ssettm $0x1  }
0x93: {  	s5 =	sld [smem:$0x3FFB];
	_ =	sdelay $0x3  }
0x94: {  	_ =	strace s5  }
0x95: {  	s5 =	sld [smem:$0x3FFC];
	_ =	sdelay $0x3  }
0x96: {  	_ =	strace s5  }
0x97: {  	s5 =	sld [smem:$0x3FFD];
	_ =	sdelay $0x3  }
0x98: {  	_ =	strace s5  }
0x99: {  	_ =	strace $0x8FFFFFFF  }
0x9a: {  	s19 =	sld [smem:$0x3FDB];
	_ =	sdelay $0x1  }
0x9b: {  	s6 =	simm.s32 $_scs_section_size  }
0x9c: {  	s7 =	simm.s32 $_size__tile_overlayer_lowered;
	s8 =	simm.s32 $_tile_overlayer_lowered  }
0x9d: {  	s22 =	simm.s32 $0x1BFF;
	s21 =	sshll.u32 s8, $0x1;
	s5 =	sadd.s32 s6, s19  }
0x9e: {  	s9 =	simm.s32 $0x0;
	s20 =	sshll.u32 s7, $0x1;
	s7 =	sadd.s32 s21, s5  }
0x9f: {  	[timem:s9], [sflag:s22] =	dma.local [hbm:s7], s20  }
0xa0: {  	_ =	swait.ge [sflag:s22], s20  }
0xa1: {  	s6 =	ssub.s32 $0x0, s20;
	[sflag:s22] =	ssyncset.done $0x0  }
0xa2: {  	[sflag:s22] =	ssyncadd.s32 s6;
	_ =	sdelay $0x1  }
0xa3: {  	s23 =	simm.s32 $0x1B8B  }
0xa4: {  	_ =	swait.ge [sflag:s23], $0x1  }
0xa5: {  	[sflag:s23] =	ssyncset.done $0x0  }
0xa6: {  	s25 =	simm.s32 $0x1B8E;
	s24 =	sld [smem:$0x3FFE];
	[sflag:s23] =	ssyncadd.s32 $0xFFFFFFFF  }
0xa7: {  	s26 =	simm.s32 $execute0_lowered;
	[smem:$0x3FD2] =	sst s25  }
0xa8: {  	s7 =	sshll.u32 s26, $0x1;
	_ =	strace $0x80000046;
	[dreg:$0x1] =	wrdreg $0xFFFFFFFF  }
0xa9: {  	s28 =	simm.s32 $_size_execute0_lowered;
	s5 =	sadd.s32 s5, s7;
	[dreg:$0x0] =	wrdreg $0x0  }
0xaa: {  	s7 =	sshll.u32 s28, $0x1;
	[dreg:$0x2] =	wrdreg s5  }
0xab: {  	[dreg:$0x3] =	wrdreg s7  }
0xac: {  	[dreg:$0x4] =	wrdreg $0xC0  }
0xad: {  	_ =	task [dreg:s9], $0x5FFFF  }
0xae: {  	[dreg:$0x1] =	wrdreg $0xFFFFFFFF  }
0xaf: {  	[dreg:$0x0] =	wrdreg $0x60  }
0xb0: {  	[dreg:$0x2] =	wrdreg s24  }
0xb1: {  	[dreg:$0x3] =	wrdreg s2  }
0xb2: {  	[dreg:$0x4] =	wrdreg s18  }
0xb3: {  	[dreg:$0x5] =	wrdreg s4  }
0xb4: {  	[dreg:$0x6] =	wrdreg $0x9  }
0xb5: {  	_ =	task.clear_ibuf [dreg:s9], $0x7FFFF;
	_ =	strace $0x90000046  }
0xb6: {  	s29 =	simm.s32 $0x9;
	_ =	strace $0x80000048  }
0xb7: {  	_ =	swait.ge [sflag:s29], $0x1  }
0xb8: {  	[sflag:s29] =	ssyncadd.s32 $0xFFFFFFFF  }
0xb9: {  	_ =	strace $0x90000048  }
0xba: {  	_ =	sfence  }
0xbb: {  	s30 =	sld [smem:$0x0];
	_ =	sdelay $0x2  }
0xbc: {  	s31 =	sshll.u32 s1, $0xD;
	s1 =	sshrl.u32 s1, $0x2  }
0xbd: {  	s3 =	sand.u32 $0x4000, s31;
	s1 =	sadd.s32 s1, s30  }
0xbe: {  	s0 =	sor.u32 s3, s0;
	s1 =	sshll.u32 s1, $0x11  }
0xbf: {  	s0 =	sor.u32 s1, s0  }
0xc0: {  	s0 =	sadd.s32 $0x8F2B, s0  }
0xc1: {  	[sflag:s0] =	ssyncadd.remote.s32 $0x1  }
0xc2: {  	_ =	sfence.sel $0xFFFF  }
0xc3: {  	[dreg:$0x0] =	wrdreg $0xFFFFFFFF;
	(pc) =	sbr.abs _section_cstart, $3  }
0xc4: {  	[dreg:$0x1] =	wrdreg $0xFFFFFFFF  }
0xc5: {  	_ =	task.clear_ibuf [dreg:s9], $0x2FFFF;
	_ =	strace $0x9FFFFFFF  }
0xc6: {  	(tm) =	ssettm $0x7FFFFFFF  }
0xc7: {  	_ =	shalt  }
tec
execute0_lowered:
.L_overlay_start_1:
0x0: {  	(tag) =	ssettag $0x1  }
0x1: {  	s6 =	rddreg [dreg:$0x0]  }
0x2: {  	s1 =	rddreg [dreg:$0x1]  }
0x3: {  	s2 =	rddreg [dreg:$0x2]  }
0x4: {  	s3 =	rddreg [dreg:$0x3];
	s4 =	srdreg.scid  }
0x5: {  	s0 =	rddreg [dreg:$0x4];
	s5 =	simm.s32 $0x0;
	s11 =	simm.s32 $0x80  }
0x6: {  	s12 =	simm.s32 $0x100;
	s13 =	simm.s32 $0x200;
	s14 =	simm.s32 $0x180  }
0x7: {  	s15 =	simm.s32 $0x4200;
	s16 =	simm.s32 $0x1;
	s17 =	simm.s32 $0x0  }
.Ltmp0:
0x8: {  	s7 =	sand.u32 $0x1, s4;
	s4 =	stileid.u32;
	(pc) =	sbr.rel .LBB2_1-.Ltmp0, $4  }
0x9: {  	[smem:$0x7FF] =	sst s5;
	s6 =	sadd.s32 $0x400, s6;
	s8 =	ssub.s32 $0x2, s7  }
0xa: {  	s10 =	sshll.u32 s4, $0x1;
	_ =	strace $0x80000047;
	s9 =	sshrl.u32 s8, $0x1  }
0xb: {  	v0 =	vlaneseq.u32;
	s7 =	sor.u32 s7, s10;
	s10 =	simm.s32 $0x2;
	s8 =	ssub.s32 s8, s9  }
0xc: {  	v0 =	vmul.u32 $0x80, v0;
	s7 =	smul.u32 $0x1900, s7;
	s9 =	simm.s32 $0x8200;
	s8 =	smax.u32 s8, $0x1  }
.LBB2_9:
0xd: {  	s17 =	sadd.s32 $0x1, s17  }
0xe: {  	p0 =	sne.s32 s17, s8  }
.Ltmp1:
0xf: {  	_ = 	snop;
	(pc) =	sbr.rel @!p0 .LBB2_10-.Ltmp1, $1  }
0x10: {  	_ =	sdelay $0x3  }
.LBB2_1:
.Ltmp2:
0x11: {  	(pc) =	sbr.rel .LBB2_2-.Ltmp2, $4  }
0x12: {  	[tilespmem:s9], [sflag:$0x2] =	stream.linear.gather [hbm4b:s2+s5], $0x8000, $0x38;
	[tilespmem:$0x10200] =	vst v63  }
0x13: {  	_ =	swait.ge [sflag:s10], $0x8000  }
0x14: {  	[sflag:s10] =	ssyncset.done $0x0  }
0x15: {  	s18 =	simm.s32 $0x0;
	[sflag:s10] =	ssyncadd.s32 $0xFFFF8000  }
.LBB2_8:
0x16: {  	s18 =	sadd.s32 $0x1, s18  }
0x17: {  	s19 =	sshll.u32 s19, $0x4;
	p0 =	sne.s32 s18, $0x19  }
.Ltmp3:
0x18: {  	s19 =	sadd.s32 s3, s19;
	(pc) =	sbr.rel @!p0 .LBB2_9-.Ltmp3, $4  }
0x19: {  	[hbm4b:s19+s5] =	stream.linear.scatter [tilespmem:s13], [sflag:$0x2], $0x8000, $0x38;
	[tilespmem:$0x10200] =	vst v63  }
0x1a: {  	_ =	swait.ge [sflag:s10], $0x8000  }
0x1b: {  	[sflag:s10] =	ssyncset.done $0x0  }
0x1c: {  	[sflag:s10] =	ssyncadd.s32 $0xFFFF8000  }
.LBB2_2:
0x1d: {  	s19 =	sshll.u32 s18, $0x8  }
0x1e: {  	s19 =	sadd.s32 s7, s19  }
0x1f: {  	s20 =	sshrl.u32 s19, $0x3  }
0x20: {  	s21 =	sadd.s32 s6, s20;
	s20 =	simm.s32 $0x0  }
0x21: {  	[tilespmem:s20], [sflag:$0x2] =	stream.linear.gather [hbm4b:s21+s20], $0x100, $0x38;
	[tilespmem:$0x10200] =	vst v63  }
0x22: {  	_ =	swait.ge [sflag:s10], $0x100  }
0x23: {  	[sflag:s10] =	ssyncset.done $0x0  }
0x24: {  	[sflag:s10] =	ssyncadd.s32 $0xFFFFFF00  }
0x25: {  	v1 =	vld [tilespmem:$0x0]  }
0x26: {  	v2 =	vld [tilespmem:$0x10]  }
0x27: {  	v3 =	vld [tilespmem:$0x20]  }
0x28: {  	v4 =	vld [tilespmem:$0x30]  }
0x29: {  	v5 =	vld [tilespmem:$0x40]  }
0x2a: {  	v6 =	vld [tilespmem:$0x50];
	vm0 =	vlt.s32 v1, $0x186A0  }
0x2b: {  	v7 =	vld [tilespmem:$0x60];
	vm13 =	vlt.s32 v2, $0x186A0;
	v1 =	vnsel vm0, $0x0, v1  }
0x2c: {  	vm14 =	vlt.s32 v3, $0x186A0;
	[tilespmem:$0x100] =	vst v1;
	v1 =	vnsel vm13, $0x0, v2;
	v2 =	vld [tilespmem:$0x70]  }
0x2d: {  	vm15 =	vlt.s32 v4, $0x186A0;
	[tilespmem:$0x110] =	vst v1;
	v1 =	vnsel vm14, $0x0, v3;
	v3 =	vld [tilespmem:$0x80]  }
0x2e: {  	v59 =	vld [tilespmem:$0x90];
	vm4 =	vlt.s32 v5, $0x186A0;
	[tilespmem:$0x120] =	vst v1;
	v1 =	vnsel vm15, $0x0, v4  }
0x2f: {  	v60 =	vld [tilespmem:$0xA0];
	vm5 =	vlt.s32 v6, $0x186A0;
	[tilespmem:$0x130] =	vst v1;
	v1 =	vnsel vm4, $0x0, v5  }
0x30: {  	v61 =	vld [tilespmem:$0xB0];
	vm6 =	vlt.s32 v7, $0x186A0;
	[tilespmem:$0x140] =	vst v1;
	v1 =	vnsel vm5, $0x0, v6  }
0x31: {  	v62 =	vld [tilespmem:$0xC0];
	[tilespmem:$0x150] =	vst v1;
	v1 =	vnsel vm6, $0x0, v7;
	vm7 =	vlt.s32 v2, $0x186A0  }
0x32: {  	[tilespmem:$0x160] =	vst v1;
	v1 =	vnsel vm7, $0x0, v2;
	vm8 =	vlt.s32 v3, $0x186A0;
	v2 =	vld [tilespmem:$0xD0]  }
0x33: {  	vm9 =	vlt.s32 v59, $0x186A0;
	[tilespmem:$0x170] =	vst v1;
	v1 =	vnsel vm8, $0x0, v3;
	v3 =	vld [tilespmem:$0xE0]  }
0x34: {  	v63 =	vld [tilespmem:$0xF0];
	vm10 =	vlt.s32 v60, $0x186A0;
	[tilespmem:$0x180] =	vst v1;
	v1 =	vnsel vm9, $0x0, v59  }
0x35: {  	vm11 =	vlt.s32 v61, $0x186A0;
	[tilespmem:$0x190] =	vst v1;
	v1 =	vnsel vm10, $0x0, v60  }
0x36: {  	vm12 =	vlt.s32 v62, $0x186A0;
	[tilespmem:$0x1A0] =	vst v1;
	v1 =	vnsel vm11, $0x0, v61  }
0x37: {  	[tilespmem:$0x1B0] =	vst v1;
	v1 =	vnsel vm12, $0x0, v62;
	vm13 =	vlt.s32 v2, $0x186A0  }
0x38: {  	[tilespmem:$0x1C0] =	vst v1;
	v1 =	vnsel vm13, $0x0, v2;
	vm14 =	vlt.s32 v3, $0x186A0  }
0x39: {  	vm15 =	vlt.s32 v63, $0x186A0;
	[tilespmem:$0x1D0] =	vst v1;
	v1 =	vnsel vm14, $0x0, v3  }
0x3a: {  	[tilespmem:$0x1E0] =	vst v1;
	v1 =	vnsel vm15, $0x0, v63  }
0x3b: {  	[tilespmem:$0x1F0] =	vst v1  }
0x3c: {  	[tilespmem:s13], [sflag:$0x1] =	stream.indirect.gather [hbm4b:s1+s11], $0x80, s12, s11, $0xb8;
	[tilespmem:$0x10200] =	vst v63  }
0x3d: {  	_ = 	snop  }
0x3e: {  	[tilespmem:s15], [sflag:$0x1] =	stream.indirect.gather [hbm4b:s1+s11], $0x80, s14, s11, $0xb8;
	[tilespmem:$0x10200] =	vst v63  }
0x3f: {  	_ =	swait.ge [sflag:s16], $0x4000  }
.Ltmp4:
0x40: {  	[sflag:s16] =	ssyncset.done $0x0;
	(pc) =	sbr.rel .LBB2_3-.Ltmp4, $4  }
0x41: {  	[sflag:s16] =	ssyncadd.s32 $0xFFFFC000  }
0x42: {  	_ =	swait.ge [sflag:s16], $0x4000  }
0x43: {  	[sflag:s16] =	ssyncset.done $0x0  }
0x44: {  	[sflag:s16] =	ssyncadd.s32 $0xFFFFC000  }
.LBB2_6:
0x45: {  	_ =	sdelay $0x3  }
0x46: {  	v7 =	vand.u32 $0x7F, v7  }
0x47: {  	[tilespmem:v6+s13+$0x0] =	vst.idx.msk vm0, v4;
	v63 =	vbroadcast v7, $0x0  }
0x48: {  	v3 =	vor.u32 v2, v3;
	v5 =	vld.idx.msk [tilespmem:v5+s9+$0x0], $0xffff  }
0x49: {  	v1 =	vor.u32 v1, v63;
	_ =	sdelay $0x3  }
0x4a: {  	[tilespmem:v3+s13+$0x0] =	vst.idx.msk vm0, v5  }
0x4b: {  	v2 =	vor.u32 v2, v63;
	v1 =	vld.idx.msk [tilespmem:v1+s9+$0x0], $0xffff;
	_ =	sdelay $0x4  }
0x4c: {  	[tilespmem:v2+s13+$0x0] =	vst.idx.msk vm0, v1  }
.LBB2_7:
0x4d: {  	s20 =	sadd.s32 $0x1, s20  }
0x4e: {  	p0 =	sne.s32 s20, $0x10  }
.Ltmp5:
0x4f: {  	_ = 	snop;
	(pc) =	sbr.rel @!p0 .LBB2_8-.Ltmp5, $1  }
0x50: {  	_ =	sdelay $0x3  }
.LBB2_3:
0x51: {  	s21 =	sshll.u32 s20, $0x4  }
0x52: {  	v1 =	vld [tilespmem:s21+$0x0];
	_ =	sdelay $0x4  }
0x53: {  	vm0 =	vgt.s32 v1, $0x1869F  }
0x54: {  	v2 =	vmpcnt.ones.xlane vm0;
	_ =	sdelay $0x1  }
0x55: {  	(v2sf) =	vpush v2, $0x0;
	_ =	sdelay $0xe  }
0x56: {  	s22 =	spop (v2sf)  }
0x57: {  	p0 =	slt.s32 s22, $0x1  }
.Ltmp6:
0x58: {  	_ = 	snop;
	(pc) =	sbr.rel @p0 .LBB2_7-.Ltmp6, $1  }
0x59: {  	_ =	sdelay $0x3  }
0x5a: {  	s22 =	simm.s32 $0x0  }
0x5b: {  	vm1 =	vgt.s32 v1, $0x186A0;
	v2 =	vmov s22  }
0x5c: {  	v1 =	vnsel vm1, $0x186A0, v1;
	v2 =	vand.u32 $0x7F, v2  }
0x5d: {  	v1 =	vshll.u32 v1, $0x7;
	v5 =	vbroadcast v2, $0x0  }
0x5e: {  	v1 =	vadd.s32 $0xFF3CB000, v1  }
0x5f: {  	v4 =	vor.u32 v1, v5  }
0x60: {  	s30 =	simm.s32 $0x1  }
0x61: {  	v3 =	vmov s21;
	v2 =	vmov s30  }
0x62: {  	v6 =	vshll.u32 v3, $0x7;
	v2 =	vand.u32 $0x7F, v2  }
0x63: {  	v3 =	vbroadcast v2, $0x0;
	v2 =	vor.u32 v0, v6  }
0x64: {  	v6 =	vor.u32 v2, v5;
	v4 =	vld.idx.msk [tilespmem:v4+s9+$0x0], $0xffff  }
0x65: {  	v5 =	vor.u32 v1, v3;
	_ =	sdelay $0x1  }
0x66: {  	s31 =	simm.s32 $0x2  }
0x67: {  	s21 =	simm.s32 $0x3;
	v7 =	vmov s31  }
.LBB2_5:
0x68: {  	p0 =	sne.s32 s21, $0x7F;
	v7 =	vand.u32 $0x7F, v7;
	[tilespmem:v6+s13+$0x0] =	vst.idx.msk vm0, v4  }
0x69: {  	v7 =	vbroadcast v7, $0x0;
	v4 =	vld.idx.msk [tilespmem:v5+s9+$0x0], $0xffff  }
.Ltmp7:
0x6a: {  	v6 =	vor.u32 v2, v3;
	(pc) =	sbr.rel @p0 .LBB2_5-.Ltmp7, $2  }
0x6b: {  	v5 =	vor.u32 v1, v7;
	v3 =	vmov v7;
	_ =	sdelay $0x2  }
0x6c: {  	v7 =	vmov s21;
	s21 =	sadd.s32 $0x1, s21  }
.Ltmp8:
0x6d: {  	_ = 	snop;
	(pc) =	sbr.rel .LBB2_6-.Ltmp8, $1  }
0x6e: {  	_ =	sdelay $0x3  }
.LBB2_10:
0x6f: {  	_ =	sfence.sel $0x180000  }
0x70: {  	[bflag:$0x0] =	sbarrier.arrive $0xFFFF  }
0x71: {  	p0 =	sne.s32 s4, $0x0;
	_ =	strace $0x90000047  }
0x72: {  	s0 =	sadd.s32 @!p0 $0x100000, s0;
	[bflag:$0x2] =	sbarrier.arrive $0xFFFF  }
0x73: {  	[sflag:s0] =	ssyncadd.tile.s32 @!p0 $0x1;
	_ =	shalt  }
.Lfunc_end2:
_tile_overlayer_lowered:
.L_overlay_start_2:
0x74: {  	(tag) =	ssettag $0x2  }
0x75: {  	s0 =	rddreg [dreg:$0x0];
	s2 =	stileid.u32  }
0x76: {  	s1 =	rddreg [dreg:$0x1];
	p0 =	sne.s32 s2, $0x0  }
0x77: {  	s3 =	rddreg [dreg:$0x2];
	[bflag:$0x3] =	sbarrier.arrive $0xFFFF;
	s2 =	simm.s32 @!p0 $0x1C02  }
0x78: {  	[timem:s3], [sflag:s2] =	dma.local @!p0 [hbm:s0], s1  }
0x79: {  	s0 =	simm.s32 @!p0 $0x2  }
0x7a: {  	_ =	swait.ge @!p0 [sflag:s0], s1  }
0x7b: {  	s1 =	ssub.s32 @!p0 $0x0, s1;
	[sflag:s0] =	ssyncset.done @!p0 $0x0  }
0x7c: {  	[sflag:s0] =	ssyncadd.s32 @!p0 s1  }
0x7d: {  	[bflag:$0x3] =	sbarrier.arrive $0xFFFF  }
0x7e: {  	_ =	shalt  }

</sc_bundles>
